<compile_context>
chip_gen: v7x
topology: tpu7x:2x2x1
jax: 0.10.2.dev20260603
libtpu: 0.0.44.dev20260713+nightly
codegen_flags: <defaults>
</compile_context>

<pallas_src>
import functools
import jax
import jax.numpy as jnp
from jax import lax
from jax.experimental import pallas as pl
from jax.experimental.pallas import tpu as pltpu
from jax.experimental.pallas import tpu_sc as plsc

_W = 128
_NC = 2
_NS = 16
_BI = 16


def _sc_gather_body(embed_hbm, r_hbm, idx_v, rows_v, sem):
    c = lax.axis_index("c")
    s = lax.axis_index("s")
    w = s + _NS * c

    lane = lax.broadcasted_iota(jnp.int32, (16,), 0)
    for t in range(4):
        m = w * 64 + t * 16 + lane
        idx = jnp.clip(511 - m, -_W, _W) + _W
        idx_v[pl.ds(t * 16, 16)] = idx
    pltpu.async_copy(embed_hbm.at[idx_v], rows_v, sem).wait()
    pltpu.sync_copy(rows_v, r_hbm.at[pl.ds(w * 64, 64)])


def _tc_broadcast_body(r_ref, out_ref):
    ib = pl.program_id(1)
    for ii in range(_BI):
        i = ib * _BI + ii
        out_ref[0, ii] = r_ref[pl.ds(511 - i, 512), :]


def kernel(x, embed):
    bsz, length, _ = x.shape
    d = embed.shape[1]

    mesh = plsc.VectorSubcoreMesh(
        core_axis_name="c", subcore_axis_name="s", num_cores=1
    )
    sc_gather = functools.partial(
        pl.kernel,
        mesh=mesh,
        out_type=jax.ShapeDtypeStruct((1024, d), jnp.float32),
        scratch_types=[
            pltpu.VMEM((64,), jnp.int32),
            pltpu.VMEM((64, d), jnp.float32),
            pltpu.SemaphoreType.DMA,
        ],
    )(_sc_gather_body)
    r = sc_gather(embed)

    return pl.pallas_call(
        _tc_broadcast_body,
        grid=(bsz, length // _BI),
        in_specs=[pl.BlockSpec((1024, d), lambda bb, ib: (0, 0))],
        out_specs=pl.BlockSpec((1, _BI, length, d), lambda bb, ib: (bb, ib, 0, 0)),
        out_shape=jax.ShapeDtypeStruct((bsz, length, length, d), jnp.float32),
    )(r)

# --- scband reference (transcript-rebuilt; emitter-appended) ---
"""Pipeline reference for scband-relative-position-embedding-33844342292956 (READ-ONLY COPY).

The authoritative reference and input builder live on the scoring server;
editing this copy changes nothing except your own understanding.
"""

import jax, jax.numpy as jnp
import numpy as np

WINDOW_SIZE = 128
EMBED_DIM = 128


def setup_inputs(seed: int = 0) -> dict:
    key = jax.random.key(seed)
    k1, k2 = jax.random.split(key)
    x = jax.random.normal(k1, (2, 512, 128), dtype=jnp.float32)
    embed = jax.random.normal(k2, (2 * WINDOW_SIZE + 1, EMBED_DIM), dtype=jnp.float32) * 0.02
    return {"x": x, "embed": embed}


def reference(x, embed):
    b = x.shape[0]
    L = x.shape[1]
    index = jnp.arange(L)
    rel_dist = index[:, None] - index[None, :]
    rel_dist = jnp.clip(rel_dist, -WINDOW_SIZE, WINDOW_SIZE)
    rel_dist = rel_dist + WINDOW_SIZE
    z = jnp.take(embed, rel_dist, axis=0)
    z = jnp.broadcast_to(z[None, :, :, :], (b, L, L, embed.shape[1]))
    return z

if __name__ == "__main__":
    import jax
    _d = setup_inputs()
    print(jax.jit(kernel)(*tuple(_d.values())))

</pallas_src>

<mosaic_0001>
#map = affine_map<(d0, d1) -> (0, 0)>
module attributes {stable_mosaic.version = 14 : i64} {
  func.func @_sc_gather_body(%arg0: i32, %arg1: i32, %arg2: memref<257x128xf32, #tpu.memory_space<hbm>>, %arg3: memref<1024x128xf32, #tpu.memory_space<hbm>>, %arg4: memref<64xi32, #tpu.memory_space<vmem>>, %arg5: memref<64x128xf32, #tpu.memory_space<vmem>>, %arg6: memref<!tpu.dma_semaphore, #tpu.memory_space<semaphore_mem>>) attributes {dimension_semantics = [#tpu.dimension_semantics<core_parallel>, #tpu.dimension_semantics<subcore_parallel>], iteration_bounds = array<i64: 1, 16>, scalar_prefetch = 0 : i64, scratch_operands = 3 : i64, tpu.core_type = #tpu.core_type<sc_vector_subcore>, window_params = [{transform_indices = #map}, {transform_indices = #map}]} {
    %mul3A = arith.constant 16 : i32
    %mul3A_0 = arith.muli %mul3A, %arg0 : i32
    %add3A = arith.addi %arg1, %mul3A_0 : i32
    %iota3A = tpu.iota {dimensions = array<i32: 0>} : vector<16xi32>
    %mul3A_1 = arith.constant 64 : i32
    %mul3A_2 = arith.muli %add3A, %mul3A_1 : i32
    %add3A_3 = arith.constant 0 : i32
    %add3A_4 = arith.addi %mul3A_2, %add3A_3 : i32
    %add3A_5 = vector.broadcast %add3A_4 : i32 to vector<16xi32>
    %add3A_6 = arith.addi %add3A_5, %iota3A : vector<16xi32>
    %sub3A = arith.constant 511 : i32
    %sub3A_7 = vector.broadcast %sub3A : i32 to vector<16xi32>
    %sub3A_8 = arith.subi %sub3A_7, %add3A_6 : vector<16xi32>
    %jit3A = arith.constant -128 : i32
    %jit3A_9 = arith.constant 128 : i32
    %max3A = vector.broadcast %jit3A : i32 to vector<16xi32>
    %max3A_10 = arith.maxsi %max3A, %sub3A_8 : vector<16xi32>
    %min3A = vector.broadcast %jit3A_9 : i32 to vector<16xi32>
    %min3A_11 = arith.minsi %min3A, %max3A_10 : vector<16xi32>
    %add3A_12 = arith.constant 128 : i32
    %add3A_13 = vector.broadcast %add3A_12 : i32 to vector<16xi32>
    %add3A_14 = arith.addi %min3A_11, %add3A_13 : vector<16xi32>
    %swap3A = arith.constant 0 : index
    %swap3A_15 = tpu.vector_load %arg4[%swap3A] {strides = array<i32>} : memref<64xi32, #tpu.memory_space<vmem>>, vector<16xi32>,
    %swap3A_16 = vector.shape_cast %swap3A_15 : vector<16xi32> to vector<16xi32>
    %swap3A_17 = vector.shape_cast %add3A_14 : vector<16xi32> to vector<16xi32>
    tpu.vector_store %arg4[%swap3A], %swap3A_17 {strides = array<i32>} : memref<64xi32, #tpu.memory_space<vmem>>, vector<16xi32>,
    %mul3A_18 = arith.constant 64 : i32
    %mul3A_19 = arith.muli %add3A, %mul3A_18 : i32
    %add3A_20 = arith.constant 16 : i32
    %add3A_21 = arith.addi %mul3A_19, %add3A_20 : i32
    %add3A_22 = vector.broadcast %add3A_21 : i32 to vector<16xi32>
    %add3A_23 = arith.addi %add3A_22, %iota3A : vector<16xi32>
    %sub3A_24 = arith.constant 511 : i32
    %sub3A_25 = vector.broadcast %sub3A_24 : i32 to vector<16xi32>
    %sub3A_26 = arith.subi %sub3A_25, %add3A_23 : vector<16xi32>
    %jit3A_27 = arith.constant -128 : i32
    %jit3A_28 = arith.constant 128 : i32
    %max3A_29 = vector.broadcast %jit3A_27 : i32 to vector<16xi32>
    %max3A_30 = arith.maxsi %max3A_29, %sub3A_26 : vector<16xi32>
    %min3A_31 = vector.broadcast %jit3A_28 : i32 to vector<16xi32>
    %min3A_32 = arith.minsi %min3A_31, %max3A_30 : vector<16xi32>
    %add3A_33 = arith.constant 128 : i32
    %add3A_34 = vector.broadcast %add3A_33 : i32 to vector<16xi32>
    %add3A_35 = arith.addi %min3A_32, %add3A_34 : vector<16xi32>
    %swap3A_36 = arith.constant 16 : index
    %swap3A_37 = tpu.vector_load %arg4[%swap3A_36] {strides = array<i32>} : memref<64xi32, #tpu.memory_space<vmem>>, vector<16xi32>,
    %swap3A_38 = vector.shape_cast %swap3A_37 : vector<16xi32> to vector<16xi32>
    %swap3A_39 = vector.shape_cast %add3A_35 : vector<16xi32> to vector<16xi32>
    tpu.vector_store %arg4[%swap3A_36], %swap3A_39 {strides = array<i32>} : memref<64xi32, #tpu.memory_space<vmem>>, vector<16xi32>,
    %mul3A_40 = arith.constant 64 : i32
    %mul3A_41 = arith.muli %add3A, %mul3A_40 : i32
    %add3A_42 = arith.constant 32 : i32
    %add3A_43 = arith.addi %mul3A_41, %add3A_42 : i32
    %add3A_44 = vector.broadcast %add3A_43 : i32 to vector<16xi32>
    %add3A_45 = arith.addi %add3A_44, %iota3A : vector<16xi32>
    %sub3A_46 = arith.constant 511 : i32
    %sub3A_47 = vector.broadcast %sub3A_46 : i32 to vector<16xi32>
    %sub3A_48 = arith.subi %sub3A_47, %add3A_45 : vector<16xi32>
    %jit3A_49 = arith.constant -128 : i32
    %jit3A_50 = arith.constant 128 : i32
    %max3A_51 = vector.broadcast %jit3A_49 : i32 to vector<16xi32>
    %max3A_52 = arith.maxsi %max3A_51, %sub3A_48 : vector<16xi32>
    %min3A_53 = vector.broadcast %jit3A_50 : i32 to vector<16xi32>
    %min3A_54 = arith.minsi %min3A_53, %max3A_52 : vector<16xi32>
    %add3A_55 = arith.constant 128 : i32
    %add3A_56 = vector.broadcast %add3A_55 : i32 to vector<16xi32>
    %add3A_57 = arith.addi %min3A_54, %add3A_56 : vector<16xi32>
    %swap3A_58 = arith.constant 32 : index
    %swap3A_59 = tpu.vector_load %arg4[%swap3A_58] {strides = array<i32>} : memref<64xi32, #tpu.memory_space<vmem>>, vector<16xi32>,
    %swap3A_60 = vector.shape_cast %swap3A_59 : vector<16xi32> to vector<16xi32>
    %swap3A_61 = vector.shape_cast %add3A_57 : vector<16xi32> to vector<16xi32>
    tpu.vector_store %arg4[%swap3A_58], %swap3A_61 {strides = array<i32>} : memref<64xi32, #tpu.memory_space<vmem>>, vector<16xi32>,
    %mul3A_62 = arith.constant 64 : i32
    %mul3A_63 = arith.muli %add3A, %mul3A_62 : i32
    %add3A_64 = arith.constant 48 : i32
    %add3A_65 = arith.addi %mul3A_63, %add3A_64 : i32
    %add3A_66 = vector.broadcast %add3A_65 : i32 to vector<16xi32>
    %add3A_67 = arith.addi %add3A_66, %iota3A : vector<16xi32>
    %sub3A_68 = arith.constant 511 : i32
    %sub3A_69 = vector.broadcast %sub3A_68 : i32 to vector<16xi32>
    %sub3A_70 = arith.subi %sub3A_69, %add3A_67 : vector<16xi32>
    %jit3A_71 = arith.constant -128 : i32
    %jit3A_72 = arith.constant 128 : i32
    %max3A_73 = vector.broadcast %jit3A_71 : i32 to vector<16xi32>
    %max3A_74 = arith.maxsi %max3A_73, %sub3A_70 : vector<16xi32>
    %min3A_75 = vector.broadcast %jit3A_72 : i32 to vector<16xi32>
    %min3A_76 = arith.minsi %min3A_75, %max3A_74 : vector<16xi32>
    %add3A_77 = arith.constant 128 : i32
    %add3A_78 = vector.broadcast %add3A_77 : i32 to vector<16xi32>
    %add3A_79 = arith.addi %min3A_76, %add3A_78 : vector<16xi32>
    %swap3A_80 = arith.constant 48 : index
    %swap3A_81 = tpu.vector_load %arg4[%swap3A_80] {strides = array<i32>} : memref<64xi32, #tpu.memory_space<vmem>>, vector<16xi32>,
    %swap3A_82 = vector.shape_cast %swap3A_81 : vector<16xi32> to vector<16xi32>
    %swap3A_83 = vector.shape_cast %add3A_79 : vector<16xi32> to vector<16xi32>
    tpu.vector_store %arg4[%swap3A_80], %swap3A_83 {strides = array<i32>} : memref<64xi32, #tpu.memory_space<vmem>>, vector<16xi32>,
    %dma_start3A = arith.constant 0 : i32
    %dma_start3A_84 = arith.constant 0 : i32
    %dma_start3A_85 = tpu.memref_slice %arg2[%dma_start3A, %dma_start3A_84] : memref<257x128xf32, #tpu.memory_space<hbm>> -> memref<257x128xf32, #tpu.memory_space<hbm>>
    tpu.enqueue_indirect_dma source(%dma_start3A_85 : memref<257x128xf32, #tpu.memory_space<hbm>>) target(%arg5 : memref<64x128xf32, #tpu.memory_space<vmem>>) offsets(%arg4 : memref<64xi32, #tpu.memory_space<vmem>>) semaphore(%arg6 : memref<!tpu.dma_semaphore, #tpu.memory_space<semaphore_mem>>)
    %dma_wait3A = arith.constant 0 : i32
    %dma_wait3A_86 = arith.constant 0 : i32
    %dma_wait3A_87 = tpu.memref_slice %arg2[%dma_wait3A, %dma_wait3A_86] : memref<257x128xf32, #tpu.memory_space<hbm>> -> memref<257x128xf32, #tpu.memory_space<hbm>>
    tpu.wait_indirect_dma semaphore(%arg6 : memref<!tpu.dma_semaphore, #tpu.memory_space<semaphore_mem>>) src(%dma_wait3A_87 : memref<257x128xf32, #tpu.memory_space<hbm>>) dst(%arg5 : memref<64x128xf32, #tpu.memory_space<vmem>>)
    %mul3A_88 = arith.constant 64 : i32
    %mul3A_89 = arith.muli %add3A, %mul3A_88 : i32
    "tpu.region"() ({
      %run_scoped3A = tpu.sem_alloc : memref<!tpu.dma_semaphore, #tpu.memory_space<semaphore_mem>>
      %dma_start3A_90 = arith.constant 0 : i32
      %dma_start3A_91 = tpu.memref_slice %arg3[%mul3A_89, %dma_start3A_90] : memref<1024x128xf32, #tpu.memory_space<hbm>> -> memref<64x128xf32, #tpu.memory_space<hbm>>
      %dma_start3A_92 = arith.constant 0 : i32
      %dma_start3A_93 = tpu.memref_slice %arg3[%mul3A_89, %dma_start3A_92] : memref<1024x128xf32, #tpu.memory_space<hbm>> -> memref<64x128xf32, #tpu.memory_space<hbm>>
      tpu.enqueue_dma source(%arg5 : memref<64x128xf32, #tpu.memory_space<vmem>>) target(%dma_start3A_93 : memref<64x128xf32, #tpu.memory_space<hbm>>) target_semaphore(%run_scoped3A : memref<!tpu.dma_semaphore, #tpu.memory_space<semaphore_mem>>)
      %dma_wait3A_94 = arith.constant 0 : i32
      %dma_wait3A_95 = tpu.memref_slice %arg3[%mul3A_89, %dma_wait3A_94] : memref<1024x128xf32, #tpu.memory_space<hbm>> -> memref<64x128xf32, #tpu.memory_space<hbm>>
      %dma_wait3A_96 = arith.constant 0 : i32
      %dma_wait3A_97 = tpu.memref_slice %arg3[%mul3A_89, %dma_wait3A_96] : memref<1024x128xf32, #tpu.memory_space<hbm>> -> memref<64x128xf32, #tpu.memory_space<hbm>>
      tpu.wait_dma2 semaphore(%run_scoped3A : memref<!tpu.dma_semaphore, #tpu.memory_space<semaphore_mem>>) src(%arg5 : memref<64x128xf32, #tpu.memory_space<vmem>>) dst(%dma_wait3A_97 : memref<64x128xf32, #tpu.memory_space<hbm>>)
      tpu.yield
    }) : () -> ()
    return
  }
}

module attributes {stable_mosaic.version = 14 : i64} {
  func.func @_tc_broadcast_body(%arg0: i32, %arg1: i32, %arg2: memref<1024x128xf32, #tpu.memory_space<vmem>>, %arg3: memref<1x16x512x128xf32, #tpu.memory_space<vmem>>) attributes {dimension_semantics = [#tpu.dimension_semantics<arbitrary>, #tpu.dimension_semantics<arbitrary>], iteration_bounds = array<i64: 2, 32>, scalar_prefetch = 0 : i64, scratch_operands = 0 : i64, tpu.core_type = #tpu.core_type<tc>, window_params = [{pipeline_mode = #tpu.pipeline_mode<synchronous>, transform_indices = @transform_0, window_bounds = array<i64: 1024, 128>}, {transform_indices = @transform_1, window_bounds = array<i64: 1, 16, 512, 128>}]} {
    %mul3A = arith.constant 16 : i32
    %mul3A_0 = arith.muli %arg1, %mul3A : i32
    %add3A = arith.constant 0 : i32
    %add3A_1 = arith.addi %mul3A_0, %add3A : i32
    %sub3A = arith.constant 511 : i32
    %sub3A_2 = arith.subi %sub3A, %add3A_1 : i32
    %get3A = arith.index_cast %sub3A_2 : i32 to index
    %get3A_3 = arith.constant 0 : index
    %get3A_4 = vector.load %arg2[%get3A, %get3A_3] : memref<1024x128xf32, #tpu.memory_space<vmem>>, vector<512x128xf32>
    %swap3A = arith.constant 0 : index
    %swap3A_5 = arith.constant 0 : index
    %swap3A_6 = arith.constant 0 : index
    %swap3A_7 = arith.constant 0 : index
    %swap3A_8 = vector.load %arg3[%swap3A, %swap3A_5, %swap3A_6, %swap3A_7] : memref<1x16x512x128xf32, #tpu.memory_space<vmem>>, vector<1x1x512x128xf32>
    %swap3A_9 = vector.shape_cast %swap3A_8 : vector<1x1x512x128xf32> to vector<512x128xf32>
    %swap3A_10 = vector.shape_cast %get3A_4 : vector<512x128xf32> to vector<1x1x512x128xf32>
    tpu.vector_store %arg3[%swap3A, %swap3A_5, %swap3A_6, %swap3A_7], %swap3A_10 {strides = array<i32>} : memref<1x16x512x128xf32, #tpu.memory_space<vmem>>, vector<1x1x512x128xf32>,
    %mul3A_11 = arith.constant 16 : i32
    %mul3A_12 = arith.muli %arg1, %mul3A_11 : i32
    %add3A_13 = arith.constant 1 : i32
    %add3A_14 = arith.addi %mul3A_12, %add3A_13 : i32
    %sub3A_15 = arith.constant 511 : i32
    %sub3A_16 = arith.subi %sub3A_15, %add3A_14 : i32
    %get3A_17 = arith.index_cast %sub3A_16 : i32 to index
    %get3A_18 = arith.constant 0 : index
    %get3A_19 = vector.load %arg2[%get3A_17, %get3A_18] : memref<1024x128xf32, #tpu.memory_space<vmem>>, vector<512x128xf32>
    %swap3A_20 = arith.constant 0 : index
    %swap3A_21 = arith.constant 1 : index
    %swap3A_22 = arith.constant 0 : index
    %swap3A_23 = arith.constant 0 : index
    %swap3A_24 = vector.load %arg3[%swap3A_20, %swap3A_21, %swap3A_22, %swap3A_23] : memref<1x16x512x128xf32, #tpu.memory_space<vmem>>, vector<1x1x512x128xf32>
    %swap3A_25 = vector.shape_cast %swap3A_24 : vector<1x1x512x128xf32> to vector<512x128xf32>
    %swap3A_26 = vector.shape_cast %get3A_19 : vector<512x128xf32> to vector<1x1x512x128xf32>
    tpu.vector_store %arg3[%swap3A_20, %swap3A_21, %swap3A_22, %swap3A_23], %swap3A_26 {strides = array<i32>} : memref<1x16x512x128xf32, #tpu.memory_space<vmem>>, vector<1x1x512x128xf32>,
    %mul3A_27 = arith.constant 16 : i32
    %mul3A_28 = arith.muli %arg1, %mul3A_27 : i32
    %add3A_29 = arith.constant 2 : i32
    %add3A_30 = arith.addi %mul3A_28, %add3A_29 : i32
    %sub3A_31 = arith.constant 511 : i32
    %sub3A_32 = arith.subi %sub3A_31, %add3A_30 : i32
    %get3A_33 = arith.index_cast %sub3A_32 : i32 to index
    %get3A_34 = arith.constant 0 : index
    %get3A_35 = vector.load %arg2[%get3A_33, %get3A_34] : memref<1024x128xf32, #tpu.memory_space<vmem>>, vector<512x128xf32>
    %swap3A_36 = arith.constant 0 : index
    %swap3A_37 = arith.constant 2 : index
    %swap3A_38 = arith.constant 0 : index
    %swap3A_39 = arith.constant 0 : index
    %swap3A_40 = vector.load %arg3[%swap3A_36, %swap3A_37, %swap3A_38, %swap3A_39] : memref<1x16x512x128xf32, #tpu.memory_space<vmem>>, vector<1x1x512x128xf32>
    %swap3A_41 = vector.shape_cast %swap3A_40 : vector<1x1x512x128xf32> to vector<512x128xf32>
    %swap3A_42 = vector.shape_cast %get3A_35 : vector<512x128xf32> to vector<1x1x512x128xf32>
    tpu.vector_store %arg3[%swap3A_36, %swap3A_37, %swap3A_38, %swap3A_39], %swap3A_42 {strides = array<i32>} : memref<1x16x512x128xf32, #tpu.memory_space<vmem>>, vector<1x1x512x128xf32>,
    %mul3A_43 = arith.constant 16 : i32
    %mul3A_44 = arith.muli %arg1, %mul3A_43 : i32
    %add3A_45 = arith.constant 3 : i32
    %add3A_46 = arith.addi %mul3A_44, %add3A_45 : i32
    %sub3A_47 = arith.constant 511 : i32
    %sub3A_48 = arith.subi %sub3A_47, %add3A_46 : i32
    %get3A_49 = arith.index_cast %sub3A_48 : i32 to index
    %get3A_50 = arith.constant 0 : index
    %get3A_51 = vector.load %arg2[%get3A_49, %get3A_50] : memref<1024x128xf32, #tpu.memory_space<vmem>>, vector<512x128xf32>
    %swap3A_52 = arith.constant 0 : index
    %swap3A_53 = arith.constant 3 : index
    %swap3A_54 = arith.constant 0 : index
    %swap3A_55 = arith.constant 0 : index
    %swap3A_56 = vector.load %arg3[%swap3A_52, %swap3A_53, %swap3A_54, %swap3A_55] : memref<1x16x512x128xf32, #tpu.memory_space<vmem>>, vector<1x1x512x128xf32>
    %swap3A_57 = vector.shape_cast %swap3A_56 : vector<1x1x512x128xf32> to vector<512x128xf32>
    %swap3A_58 = vector.shape_cast %get3A_51 : vector<512x128xf32> to vector<1x1x512x128xf32>
    tpu.vector_store %arg3[%swap3A_52, %swap3A_53, %swap3A_54, %swap3A_55], %swap3A_58 {strides = array<i32>} : memref<1x16x512x128xf32, #tpu.memory_space<vmem>>, vector<1x1x512x128xf32>,
    %mul3A_59 = arith.constant 16 : i32
    %mul3A_60 = arith.muli %arg1, %mul3A_59 : i32
    %add3A_61 = arith.constant 4 : i32
    %add3A_62 = arith.addi %mul3A_60, %add3A_61 : i32
    %sub3A_63 = arith.constant 511 : i32
    %sub3A_64 = arith.subi %sub3A_63, %add3A_62 : i32
    %get3A_65 = arith.index_cast %sub3A_64 : i32 to index
    %get3A_66 = arith.constant 0 : index
    %get3A_67 = vector.load %arg2[%get3A_65, %get3A_66] : memref<1024x128xf32, #tpu.memory_space<vmem>>, vector<512x128xf32>
    %swap3A_68 = arith.constant 0 : index
    %swap3A_69 = arith.constant 4 : index
    %swap3A_70 = arith.constant 0 : index
    %swap3A_71 = arith.constant 0 : index
    %swap3A_72 = vector.load %arg3[%swap3A_68, %swap3A_69, %swap3A_70, %swap3A_71] : memref<1x16x512x128xf32, #tpu.memory_space<vmem>>, vector<1x1x512x128xf32>
    %swap3A_73 = vector.shape_cast %swap3A_72 : vector<1x1x512x128xf32> to vector<512x128xf32>
    %swap3A_74 = vector.shape_cast %get3A_67 : vector<512x128xf32> to vector<1x1x512x128xf32>
    tpu.vector_store %arg3[%swap3A_68, %swap3A_69, %swap3A_70, %swap3A_71], %swap3A_74 {strides = array<i32>} : memref<1x16x512x128xf32, #tpu.memory_space<vmem>>, vector<1x1x512x128xf32>,
    %mul3A_75 = arith.constant 16 : i32
    %mul3A_76 = arith.muli %arg1, %mul3A_75 : i32
    %add3A_77 = arith.constant 5 : i32
    %add3A_78 = arith.addi %mul3A_76, %add3A_77 : i32
    %sub3A_79 = arith.constant 511 : i32
    %sub3A_80 = arith.subi %sub3A_79, %add3A_78 : i32
    %get3A_81 = arith.index_cast %sub3A_80 : i32 to index
    %get3A_82 = arith.constant 0 : index
    %get3A_83 = vector.load %arg2[%get3A_81, %get3A_82] : memref<1024x128xf32, #tpu.memory_space<vmem>>, vector<512x128xf32>
    %swap3A_84 = arith.constant 0 : index
    %swap3A_85 = arith.constant 5 : index
    %swap3A_86 = arith.constant 0 : index
    %swap3A_87 = arith.constant 0 : index
    %swap3A_88 = vector.load %arg3[%swap3A_84, %swap3A_85, %swap3A_86, %swap3A_87] : memref<1x16x512x128xf32, #tpu.memory_space<vmem>>, vector<1x1x512x128xf32>
    %swap3A_89 = vector.shape_cast %swap3A_88 : vector<1x1x512x128xf32> to vector<512x128xf32>
    %swap3A_90 = vector.shape_cast %get3A_83 : vector<512x128xf32> to vector<1x1x512x128xf32>
    tpu.vector_store %arg3[%swap3A_84, %swap3A_85, %swap3A_86, %swap3A_87], %swap3A_90 {strides = array<i32>} : memref<1x16x512x128xf32, #tpu.memory_space<vmem>>, vector<1x1x512x128xf32>,
    %mul3A_91 = arith.constant 16 : i32
    %mul3A_92 = arith.muli %arg1, %mul3A_91 : i32
    %add3A_93 = arith.constant 6 : i32
    %add3A_94 = arith.addi %mul3A_92, %add3A_93 : i32
    %sub3A_95 = arith.constant 511 : i32
    %sub3A_96 = arith.subi %sub3A_95, %add3A_94 : i32
    %get3A_97 = arith.index_cast %sub3A_96 : i32 to index
    %get3A_98 = arith.constant 0 : index
    %get3A_99 = vector.load %arg2[%get3A_97, %get3A_98] : memref<1024x128xf32, #tpu.memory_space<vmem>>, vector<512x128xf32>
    %swap3A_100 = arith.constant 0 : index
    %swap3A_101 = arith.constant 6 : index
    %swap3A_102 = arith.constant 0 : index
    %swap3A_103 = arith.constant 0 : index
    %swap3A_104 = vector.load %arg3[%swap3A_100, %swap3A_101, %swap3A_102, %swap3A_103] : memref<1x16x512x128xf32, #tpu.memory_space<vmem>>, vector<1x1x512x128xf32>
    %swap3A_105 = vector.shape_cast %swap3A_104 : vector<1x1x512x128xf32> to vector<512x128xf32>
    %swap3A_106 = vector.shape_cast %get3A_99 : vector<512x128xf32> to vector<1x1x512x128xf32>
    tpu.vector_store %arg3[%swap3A_100, %swap3A_101, %swap3A_102, %swap3A_103], %swap3A_106 {strides = array<i32>} : memref<1x16x512x128xf32, #tpu.memory_space<vmem>>, vector<1x1x512x128xf32>,
    %mul3A_107 = arith.constant 16 : i32
    %mul3A_108 = arith.muli %arg1, %mul3A_107 : i32
    %add3A_109 = arith.constant 7 : i32
    %add3A_110 = arith.addi %mul3A_108, %add3A_109 : i32
    %sub3A_111 = arith.constant 511 : i32
    %sub3A_112 = arith.subi %sub3A_111, %add3A_110 : i32
    %get3A_113 = arith.index_cast %sub3A_112 : i32 to index
    %get3A_114 = arith.constant 0 : index
    %get3A_115 = vector.load %arg2[%get3A_113, %get3A_114] : memref<1024x128xf32, #tpu.memory_space<vmem>>, vector<512x128xf32>
    %swap3A_116 = arith.constant 0 : index
    %swap3A_117 = arith.constant 7 : index
    %swap3A_118 = arith.constant 0 : index
    %swap3A_119 = arith.constant 0 : index
    %swap3A_120 = vector.load %arg3[%swap3A_116, %swap3A_117, %swap3A_118, %swap3A_119] : memref<1x16x512x128xf32, #tpu.memory_space<vmem>>, vector<1x1x512x128xf32>
    %swap3A_121 = vector.shape_cast %swap3A_120 : vector<1x1x512x128xf32> to vector<512x128xf32>
    %swap3A_122 = vector.shape_cast %get3A_115 : vector<512x128xf32> to vector<1x1x512x128xf32>
    tpu.vector_store %arg3[%swap3A_116, %swap3A_117, %swap3A_118, %swap3A_119], %swap3A_122 {strides = array<i32>} : memref<1x16x512x128xf32, #tpu.memory_space<vmem>>, vector<1x1x512x128xf32>,
    %mul3A_123 = arith.constant 16 : i32
    %mul3A_124 = arith.muli %arg1, %mul3A_123 : i32
    %add3A_125 = arith.constant 8 : i32
    %add3A_126 = arith.addi %mul3A_124, %add3A_125 : i32
    %sub3A_127 = arith.constant 511 : i32
    %sub3A_128 = arith.subi %sub3A_127, %add3A_126 : i32
    %get3A_129 = arith.index_cast %sub3A_128 : i32 to index
    %get3A_130 = arith.constant 0 : index
    %get3A_131 = vector.load %arg2[%get3A_129, %get3A_130] : memref<1024x128xf32, #tpu.memory_space<vmem>>, vector<512x128xf32>
    %swap3A_132 = arith.constant 0 : index
    %swap3A_133 = arith.constant 8 : index
    %swap3A_134 = arith.constant 0 : index
    %swap3A_135 = arith.constant 0 : index
    %swap3A_136 = vector.load %arg3[%swap3A_132, %swap3A_133, %swap3A_134, %swap3A_135] : memref<1x16x512x128xf32, #tpu.memory_space<vmem>>, vector<1x1x512x128xf32>
    %swap3A_137 = vector.shape_cast %swap3A_136 : vector<1x1x512x128xf32> to vector<512x128xf32>
    %swap3A_138 = vector.shape_cast %get3A_131 : vector<512x128xf32> to vector<1x1x512x128xf32>
    tpu.vector_store %arg3[%swap3A_132, %swap3A_133, %swap3A_134, %swap3A_135], %swap3A_138 {strides = array<i32>} : memref<1x16x512x128xf32, #tpu.memory_space<vmem>>, vector<1x1x512x128xf32>,
    %mul3A_139 = arith.constant 16 : i32
    %mul3A_140 = arith.muli %arg1, %mul3A_139 : i32
    %add3A_141 = arith.constant 9 : i32
    %add3A_142 = arith.addi %mul3A_140, %add3A_141 : i32
    %sub3A_143 = arith.constant 511 : i32
    %sub3A_144 = arith.subi %sub3A_143, %add3A_142 : i32
    %get3A_145 = arith.index_cast %sub3A_144 : i32 to index
    %get3A_146 = arith.constant 0 : index
    %get3A_147 = vector.load %arg2[%get3A_145, %get3A_146] : memref<1024x128xf32, #tpu.memory_space<vmem>>, vector<512x128xf32>
    %swap3A_148 = arith.constant 0 : index
    %swap3A_149 = arith.constant 9 : index
    %swap3A_150 = arith.constant 0 : index
    %swap3A_151 = arith.constant 0 : index
    %swap3A_152 = vector.load %arg3[%swap3A_148, %swap3A_149, %swap3A_150, %swap3A_151] : memref<1x16x512x128xf32, #tpu.memory_space<vmem>>, vector<1x1x512x128xf32>
    %swap3A_153 = vector.shape_cast %swap3A_152 : vector<1x1x512x128xf32> to vector<512x128xf32>
    %swap3A_154 = vector.shape_cast %get3A_147 : vector<512x128xf32> to vector<1x1x512x128xf32>
    tpu.vector_store %arg3[%swap3A_148, %swap3A_149, %swap3A_150, %swap3A_151], %swap3A_154 {strides = array<i32>} : memref<1x16x512x128xf32, #tpu.memory_space<vmem>>, vector<1x1x512x128xf32>,
    %mul3A_155 = arith.constant 16 : i32
    %mul3A_156 = arith.muli %arg1, %mul3A_155 : i32
    %add3A_157 = arith.constant 10 : i32
    %add3A_158 = arith.addi %mul3A_156, %add3A_157 : i32
    %sub3A_159 = arith.constant 511 : i32
    %sub3A_160 = arith.subi %sub3A_159, %add3A_158 : i32
    %get3A_161 = arith.index_cast %sub3A_160 : i32 to index
    %get3A_162 = arith.constant 0 : index
    %get3A_163 = vector.load %arg2[%get3A_161, %get3A_162] : memref<1024x128xf32, #tpu.memory_space<vmem>>, vector<512x128xf32>
    %swap3A_164 = arith.constant 0 : index
    %swap3A_165 = arith.constant 10 : index
    %swap3A_166 = arith.constant 0 : index
    %swap3A_167 = arith.constant 0 : index
    %swap3A_168 = vector.load %arg3[%swap3A_164, %swap3A_165, %swap3A_166, %swap3A_167] : memref<1x16x512x128xf32, #tpu.memory_space<vmem>>, vector<1x1x512x128xf32>
    %swap3A_169 = vector.shape_cast %swap3A_168 : vector<1x1x512x128xf32> to vector<512x128xf32>
    %swap3A_170 = vector.shape_cast %get3A_163 : vector<512x128xf32> to vector<1x1x512x128xf32>
    tpu.vector_store %arg3[%swap3A_164, %swap3A_165, %swap3A_166, %swap3A_167], %swap3A_170 {strides = array<i32>} : memref<1x16x512x128xf32, #tpu.memory_space<vmem>>, vector<1x1x512x128xf32>,
    %mul3A_171 = arith.constant 16 : i32
    %mul3A_172 = arith.muli %arg1, %mul3A_171 : i32
    %add3A_173 = arith.constant 11 : i32
    %add3A_174 = arith.addi %mul3A_172, %add3A_173 : i32
    %sub3A_175 = arith.constant 511 : i32
    %sub3A_176 = arith.subi %sub3A_175, %add3A_174 : i32
    %get3A_177 = arith.index_cast %sub3A_176 : i32 to index
    %get3A_178 = arith.constant 0 : index
    %get3A_179 = vector.load %arg2[%get3A_177, %get3A_178] : memref<1024x128xf32, #tpu.memory_space<vmem>>, vector<512x128xf32>
    %swap3A_180 = arith.constant 0 : index
    %swap3A_181 = arith.constant 11 : index
    %swap3A_182 = arith.constant 0 : index
    %swap3A_183 = arith.constant 0 : index
    %swap3A_184 = vector.load %arg3[%swap3A_180, %swap3A_181, %swap3A_182, %swap3A_183] : memref<1x16x512x128xf32, #tpu.memory_space<vmem>>, vector<1x1x512x128xf32>
    %swap3A_185 = vector.shape_cast %swap3A_184 : vector<1x1x512x128xf32> to vector<512x128xf32>
    %swap3A_186 = vector.shape_cast %get3A_179 : vector<512x128xf32> to vector<1x1x512x128xf32>
    tpu.vector_store %arg3[%swap3A_180, %swap3A_181, %swap3A_182, %swap3A_183], %swap3A_186 {strides = array<i32>} : memref<1x16x512x128xf32, #tpu.memory_space<vmem>>, vector<1x1x512x128xf32>,
    %mul3A_187 = arith.constant 16 : i32
    %mul3A_188 = arith.muli %arg1, %mul3A_187 : i32
    %add3A_189 = arith.constant 12 : i32
    %add3A_190 = arith.addi %mul3A_188, %add3A_189 : i32
    %sub3A_191 = arith.constant 511 : i32
    %sub3A_192 = arith.subi %sub3A_191, %add3A_190 : i32
    %get3A_193 = arith.index_cast %sub3A_192 : i32 to index
    %get3A_194 = arith.constant 0 : index
    %get3A_195 = vector.load %arg2[%get3A_193, %get3A_194] : memref<1024x128xf32, #tpu.memory_space<vmem>>, vector<512x128xf32>
    %swap3A_196 = arith.constant 0 : index
    %swap3A_197 = arith.constant 12 : index
    %swap3A_198 = arith.constant 0 : index
    %swap3A_199 = arith.constant 0 : index
    %swap3A_200 = vector.load %arg3[%swap3A_196, %swap3A_197, %swap3A_198, %swap3A_199] : memref<1x16x512x128xf32, #tpu.memory_space<vmem>>, vector<1x1x512x128xf32>
    %swap3A_201 = vector.shape_cast %swap3A_200 : vector<1x1x512x128xf32> to vector<512x128xf32>
    %swap3A_202 = vector.shape_cast %get3A_195 : vector<512x128xf32> to vector<1x1x512x128xf32>
    tpu.vector_store %arg3[%swap3A_196, %swap3A_197, %swap3A_198, %swap3A_199], %swap3A_202 {strides = array<i32>} : memref<1x16x512x128xf32, #tpu.memory_space<vmem>>, vector<1x1x512x128xf32>,
    %mul3A_203 = arith.constant 16 : i32
    %mul3A_204 = arith.muli %arg1, %mul3A_203 : i32
    %add3A_205 = arith.constant 13 : i32
    %add3A_206 = arith.addi %mul3A_204, %add3A_205 : i32
    %sub3A_207 = arith.constant 511 : i32
    %sub3A_208 = arith.subi %sub3A_207, %add3A_206 : i32
    %get3A_209 = arith.index_cast %sub3A_208 : i32 to index
    %get3A_210 = arith.constant 0 : index
    %get3A_211 = vector.load %arg2[%get3A_209, %get3A_210] : memref<1024x128xf32, #tpu.memory_space<vmem>>, vector<512x128xf32>
    %swap3A_212 = arith.constant 0 : index
    %swap3A_213 = arith.constant 13 : index
    %swap3A_214 = arith.constant 0 : index
    %swap3A_215 = arith.constant 0 : index
    %swap3A_216 = vector.load %arg3[%swap3A_212, %swap3A_213, %swap3A_214, %swap3A_215] : memref<1x16x512x128xf32, #tpu.memory_space<vmem>>, vector<1x1x512x128xf32>
    %swap3A_217 = vector.shape_cast %swap3A_216 : vector<1x1x512x128xf32> to vector<512x128xf32>
    %swap3A_218 = vector.shape_cast %get3A_211 : vector<512x128xf32> to vector<1x1x512x128xf32>
    tpu.vector_store %arg3[%swap3A_212, %swap3A_213, %swap3A_214, %swap3A_215], %swap3A_218 {strides = array<i32>} : memref<1x16x512x128xf32, #tpu.memory_space<vmem>>, vector<1x1x512x128xf32>,
    %mul3A_219 = arith.constant 16 : i32
    %mul3A_220 = arith.muli %arg1, %mul3A_219 : i32
    %add3A_221 = arith.constant 14 : i32
    %add3A_222 = arith.addi %mul3A_220, %add3A_221 : i32
    %sub3A_223 = arith.constant 511 : i32
    %sub3A_224 = arith.subi %sub3A_223, %add3A_222 : i32
    %get3A_225 = arith.index_cast %sub3A_224 : i32 to index
    %get3A_226 = arith.constant 0 : index
    %get3A_227 = vector.load %arg2[%get3A_225, %get3A_226] : memref<1024x128xf32, #tpu.memory_space<vmem>>, vector<512x128xf32>
    %swap3A_228 = arith.constant 0 : index
    %swap3A_229 = arith.constant 14 : index
    %swap3A_230 = arith.constant 0 : index
    %swap3A_231 = arith.constant 0 : index
    %swap3A_232 = vector.load %arg3[%swap3A_228, %swap3A_229, %swap3A_230, %swap3A_231] : memref<1x16x512x128xf32, #tpu.memory_space<vmem>>, vector<1x1x512x128xf32>
    %swap3A_233 = vector.shape_cast %swap3A_232 : vector<1x1x512x128xf32> to vector<512x128xf32>
    %swap3A_234 = vector.shape_cast %get3A_227 : vector<512x128xf32> to vector<1x1x512x128xf32>
    tpu.vector_store %arg3[%swap3A_228, %swap3A_229, %swap3A_230, %swap3A_231], %swap3A_234 {strides = array<i32>} : memref<1x16x512x128xf32, #tpu.memory_space<vmem>>, vector<1x1x512x128xf32>,
    %mul3A_235 = arith.constant 16 : i32
    %mul3A_236 = arith.muli %arg1, %mul3A_235 : i32
    %add3A_237 = arith.constant 15 : i32
    %add3A_238 = arith.addi %mul3A_236, %add3A_237 : i32
    %sub3A_239 = arith.constant 511 : i32
    %sub3A_240 = arith.subi %sub3A_239, %add3A_238 : i32
    %get3A_241 = arith.index_cast %sub3A_240 : i32 to index
    %get3A_242 = arith.constant 0 : index
    %get3A_243 = vector.load %arg2[%get3A_241, %get3A_242] : memref<1024x128xf32, #tpu.memory_space<vmem>>, vector<512x128xf32>
    %swap3A_244 = arith.constant 0 : index
    %swap3A_245 = arith.constant 15 : index
    %swap3A_246 = arith.constant 0 : index
    %swap3A_247 = arith.constant 0 : index
    %swap3A_248 = vector.load %arg3[%swap3A_244, %swap3A_245, %swap3A_246, %swap3A_247] : memref<1x16x512x128xf32, #tpu.memory_space<vmem>>, vector<1x1x512x128xf32>
    %swap3A_249 = vector.shape_cast %swap3A_248 : vector<1x1x512x128xf32> to vector<512x128xf32>
    %swap3A_250 = vector.shape_cast %get3A_243 : vector<512x128xf32> to vector<1x1x512x128xf32>
    tpu.vector_store %arg3[%swap3A_244, %swap3A_245, %swap3A_246, %swap3A_247], %swap3A_250 {strides = array<i32>} : memref<1x16x512x128xf32, #tpu.memory_space<vmem>>, vector<1x1x512x128xf32>,
    return
  }
  func.func @transform_0(%arg0: i32, %arg1: i32) -> (i32, i32) {
    %c0_i32 = arith.constant 0 : i32
    %c0_i32_0 = arith.constant 0 : i32
    %c0_i32_1 = arith.constant 0 : i32
    return %c0_i32, %c0_i32_0 : i32, i32
  }
  func.func @transform_1(%arg0: i32, %arg1: i32) -> (i32, i32, i32, i32) {
    %c0_i32 = arith.constant 0 : i32
    %c0_i32_0 = arith.constant 0 : i32
    %c0_i32_1 = arith.constant 0 : i32
    return %arg0, %arg1, %c0_i32, %c0_i32_0 : i32, i32, i32, i32
  }
}

</mosaic_0001>

<sc_bundles>
// kernel: kernel.4.cloned.1.call-start
scs
__scs_entry_jumppad:
0x0: {  	(pc) =	sbr.rel $0x88, $3  }
0x1: {  	(tag) =	ssettag $0x0;
	lr =	simm.s32 $0x1  }
0x2: {  	[smem:$0x3FA0] =	sst lr;
	_ =	strace $0xD0000000  }
0x3: {  	_ = 	snop  }
0x4: {  	_ = 	snop  }
0x5: {  	_ = 	snop  }
0x6: {  	_ = 	snop  }
0x7: {  	_ = 	snop  }
__scs_overlays_trampoline_lowered:
0x8: {  	[smem:$0x3FAF] =	sst s0  }
0x9: {  	[smem:$0x3FB0] =	sst s1  }
0xa: {  	[smem:$0x3FB1] =	sst s2  }
0xb: {  	[smem:$0x3FB2] =	sst s3  }
0xc: {  	[smem:$0x3FB3] =	sst s4  }
0xd: {  	[smem:$0x3FB4] =	sst s5  }
0xe: {  	[smem:$0x3FB5] =	sst s6  }
0xf: {  	[smem:$0x3FB6] =	sst s7  }
0x10: {  	[smem:$0x3FB7] =	sst s8  }
0x11: {  	[smem:$0x3FB8] =	sst s9;
	s0 =	simm.s32 @!p0 $0x0  }
0x12: {  	s1 =	sld [smem:$0x3F9E];
	s0 =	simm.s32 @p0 $0x1  }
0x13: {  	[smem:$0x3FB9] =	sst s0;
	s0 =	simm.s32 @!p1 $0x0  }
0x14: {  	s2 =	sld [smem:$0x3F9D];
	s0 =	simm.s32 @p1 $0x1  }
0x15: {  	[smem:$0x3FBA] =	sst s0;
	s0 =	simm.s32 @!p2 $0x0  }
0x16: {  	s3 =	sld [smem:$0x3FDB];
	s0 =	simm.s32 @p2 $0x1  }
0x17: {  	s4 =	simm.s32 $0x1BF5;
	[smem:$0x3FBC] =	sst s0  }
0x18: {  	s0 =	sld [smem:$0x3F9F];
	_ =	swait.ge [sflag:s4], $0x0  }
0x19: {  	s7 =	sld [smem:$0x3FA0]  }
0x1a: {  	s8 =	sadd.s32 $0xFFFFE003, lr  }
0x1b: {  	s9 =	sadd.s32 $0xFFFFFEF7, lr;
	s5 =	simm.s32 $0xFFFFFFFF;
	p2 =	slt.u32 s8, $0xFFFFF086  }
0x1c: {  	p1 =	slt.u32 s9, $0xF7A;
	s5 =	simm.s32 @!p2 $0x0  }
0x1d: {  	s5 =	simm.s32 @p1 $0x1;
	p0 =	seq.s32 s7, s2  }
0x1e: {  	s7 =	smul.u32 @!p0 $0xF7A, s2;
	p2 =	seq.s32 @!p0 s5, $0x0  }
0x1f: {  	s9 =	smul.u32 $0xF7A, s1;
	s8 =	simm.s32 @!p0 $0x1BF5;
	p2 =	por !p2, p0  }
0x20: {  	[sflag:s8] =	ssyncset.s32 @!p0 $0xFFFFF086;
	s6 =	sadd.s32 @!p0 s3, s7;
	s7 =	simm.s32 @!p0 $0x108  }
0x21: {  	s3 =	sadd.s32 s3, s9;
	s6 =	sadd.s32 @!p0 $0x88, s6;
	s7 =	simm.s32 @p2 $0x1082  }
0x22: {  	[simem:s7], [sflag:s8] =	dma.local @!p0 [hbm:s6], $0xF7A  }
0x23: {  	s9 =	sor.u32 $0xD0000000, s2;
	s6 =	simm.s32 $0x108;
	_ =	swait.ge @!p0 [sflag:s8], $0x0  }
0x24: {  	s3 =	sadd.s32 $0x88, s3;
	s6 =	simm.s32 @!p1 $0x1082;
	[sflag:s4] =	ssyncset.s32 $0xFFFFF086  }
0x25: {  	[simem:s6], [sflag:s4] =	dma.local [hbm:s3], $0xF7A  }
0x26: {  	[smem:$0x3FA0] =	sst s1;
	(tag) =	ssettag s2;
	_ =	strace s9  }
0x27: {  	s1 =	sld [smem:$0x3FB0]  }
0x28: {  	s2 =	sld [smem:$0x3FB1]  }
0x29: {  	s4 =	sld [smem:$0x3FB3]  }
0x2a: {  	p0 =	seq.s32 s5, $0x0;
	s5 =	sld [smem:$0x3FB4]  }
0x2b: {  	s6 =	sld [smem:$0x3FB5]  }
0x2c: {  	s7 =	sld [smem:$0x3FB6]  }
0x2d: {  	s3 =	simm.s32 $0x108;
	s8 =	sld [smem:$0x3FB7]  }
0x2e: {  	s3 =	simm.s32 @!p0 $0x1082;
	s9 =	sld [smem:$0x3FB8]  }
0x2f: {  	lr =	sadd.s32 s0, s3;
	s0 =	sld [smem:$0x3FAF]  }
0x30: {  	s3 =	sld [smem:$0x3FB2]  }
0x31: {  	[smem:$0x3FBB] =	sst s10  }
0x32: {  	s10 =	sld [smem:$0x3FB9];
	_ =	sdelay $0x3  }
0x33: {  	p0 =	seq.s32 s10, $0x1;
	s10 =	sld [smem:$0x3FBB];
	_ =	sdelay $0x3  }
0x34: {  	[smem:$0x3FBB] =	sst s10  }
0x35: {  	s10 =	sld [smem:$0x3FBA];
	_ =	sdelay $0x3  }
0x36: {  	p1 =	seq.s32 s10, $0x1;
	s10 =	sld [smem:$0x3FBB];
	_ =	sdelay $0x3  }
0x37: {  	[smem:$0x3FBB] =	sst s10  }
0x38: {  	s10 =	sld [smem:$0x3FBC]  }
0x39: {  	_ = 	snop;
	(pc) =	sbr.ind lr, $3  }
0x3a: {  	_ = 	snop  }
0x3b: {  	_ = 	snop  }
0x3c: {  	p2 =	seq.s32 s10, $0x1;
	s10 =	sld [smem:$0x3FBB]  }
0x3d: {  	_ =	shalt  }
0x3e: {  	_ =	shalt  }
0x3f: {  	_ =	shalt  }
0x40: {  	_ =	shalt  }
0x41: {  	_ =	shalt  }
0x42: {  	_ =	shalt  }
0x43: {  	_ =	shalt  }
0x44: {  	_ =	shalt  }
0x45: {  	_ =	shalt  }
0x46: {  	_ =	shalt  }
0x47: {  	_ =	shalt  }
0x48: {  	_ =	shalt  }
0x49: {  	_ =	shalt  }
0x4a: {  	_ =	shalt  }
0x4b: {  	_ =	shalt  }
0x4c: {  	_ =	shalt  }
0x4d: {  	_ =	shalt  }
0x4e: {  	_ =	shalt  }
0x4f: {  	_ =	shalt  }
0x50: {  	_ =	shalt  }
0x51: {  	_ =	shalt  }
0x52: {  	_ =	shalt  }
0x53: {  	_ =	shalt  }
0x54: {  	_ =	shalt  }
0x55: {  	_ =	shalt  }
0x56: {  	_ =	shalt  }
0x57: {  	_ =	shalt  }
0x58: {  	_ =	shalt  }
0x59: {  	_ =	shalt  }
0x5a: {  	_ =	shalt  }
0x5b: {  	_ =	shalt  }
0x5c: {  	_ =	shalt  }
0x5d: {  	_ =	shalt  }
0x5e: {  	_ =	shalt  }
0x5f: {  	_ =	shalt  }
0x60: {  	_ =	shalt  }
0x61: {  	_ =	shalt  }
0x62: {  	_ =	shalt  }
0x63: {  	_ =	shalt  }
0x64: {  	_ =	shalt  }
0x65: {  	_ =	shalt  }
0x66: {  	_ =	shalt  }
0x67: {  	_ =	shalt  }
0x68: {  	_ =	shalt  }
0x69: {  	_ =	shalt  }
0x6a: {  	_ =	shalt  }
0x6b: {  	_ =	shalt  }
0x6c: {  	_ =	shalt  }
0x6d: {  	_ =	shalt  }
0x6e: {  	_ =	shalt  }
0x6f: {  	_ =	shalt  }
0x70: {  	_ =	shalt  }
0x71: {  	_ =	shalt  }
0x72: {  	_ =	shalt  }
0x73: {  	_ =	shalt  }
0x74: {  	_ =	shalt  }
0x75: {  	_ =	shalt  }
0x76: {  	_ =	shalt  }
0x77: {  	_ =	shalt  }
0x78: {  	_ =	shalt  }
0x79: {  	_ =	shalt  }
0x7a: {  	_ =	shalt  }
0x7b: {  	_ =	shalt  }
0x7c: {  	_ =	shalt  }
0x7d: {  	_ =	shalt  }
0x7e: {  	_ =	shalt  }
0x7f: {  	_ =	shalt  }
0x80: {  	_ =	shalt  }
0x81: {  	_ =	shalt  }
0x82: {  	_ =	shalt  }
0x83: {  	_ =	shalt  }
0x84: {  	_ =	shalt  }
0x85: {  	_ =	shalt  }
0x86: {  	_ =	shalt  }
0x87: {  	_ =	shalt  }
.Lfunc_end0:
.L_simem_size_0:
called_computation_lowered:
.L_overlay_start_0:
0x88: {  	s0 =	sld [smem:$0x3FD9]  }
0x89: {  	s1 =	sld [smem:$0x3FFE];
	_ =	sdelay $0x3  }
0x8a: {  	s0 =	sadd.s32 s1, s0  }
0x8b: {  	[smem:$0x3FC7] =	sst s0  }
0x8c: {  	_ = 	snop  }
0x8d: {  	s0 =	sld [smem:$0x3FC9]  }
0x8e: {  	s17 =	sld [smem:$0x3FD0];
	(tm) =	ssettm $0x1  }
0x8f: {  	s2 =	sld [smem:$0x3FFB];
	_ =	sdelay $0x3  }
0x90: {  	_ =	strace s2  }
0x91: {  	s2 =	sld [smem:$0x3FFC];
	_ =	sdelay $0x3  }
0x92: {  	_ =	strace s2  }
0x93: {  	s2 =	sld [smem:$0x3FFD];
	_ =	sdelay $0x3  }
0x94: {  	_ =	strace s2  }
0x95: {  	_ =	strace $0x8FFFFFFF  }
0x96: {  	s18 =	sld [smem:$0x3FDB];
	_ =	sdelay $0x1  }
0x97: {  	s3 =	simm.s32 $_scs_section_size  }
0x98: {  	s4 =	simm.s32 $_size__tile_overlayer_lowered;
	s5 =	simm.s32 $_tile_overlayer_lowered  }
0x99: {  	s21 =	simm.s32 $0x1BFF;
	s20 =	sshll.u32 s5, $0x1;
	s2 =	sadd.s32 s3, s18  }
0x9a: {  	s6 =	simm.s32 $0x0;
	s19 =	sshll.u32 s4, $0x1;
	s4 =	sadd.s32 s20, s2  }
0x9b: {  	[timem:s6], [sflag:s21] =	dma.local [hbm:s4], s19  }
0x9c: {  	_ =	swait.ge [sflag:s21], s19  }
0x9d: {  	s3 =	ssub.s32 $0x0, s19;
	[sflag:s21] =	ssyncset.done $0x0  }
0x9e: {  	[sflag:s21] =	ssyncadd.s32 s3;
	_ =	sdelay $0x1  }
0x9f: {  	s22 =	simm.s32 $0x1B8B  }
0xa0: {  	_ =	swait.ge [sflag:s22], $0x1  }
0xa1: {  	[sflag:s22] =	ssyncset.done $0x0  }
0xa2: {  	s23 =	simm.s32 $0x1B8E;
	[sflag:s22] =	ssyncadd.s32 $0xFFFFFFFF  }
0xa3: {  	s24 =	simm.s32 $execute0_lowered;
	[smem:$0x3FD2] =	sst s23  }
0xa4: {  	s3 =	sshll.u32 s24, $0x1;
	_ =	strace $0x80000046;
	[dreg:$0x1] =	wrdreg $0xFFFFFFFF  }
0xa5: {  	s25 =	simm.s32 $_size_execute0_lowered;
	s2 =	sadd.s32 s2, s3;
	[dreg:$0x0] =	wrdreg $0x0  }
0xa6: {  	s3 =	sshll.u32 s25, $0x1;
	[dreg:$0x2] =	wrdreg s2  }
0xa7: {  	[dreg:$0x3] =	wrdreg s3  }
0xa8: {  	[dreg:$0x4] =	wrdreg $0xC0  }
0xa9: {  	_ =	task [dreg:s6], $0x5FFFF  }
0xaa: {  	[dreg:$0x1] =	wrdreg $0xFFFFFFFF  }
0xab: {  	[dreg:$0x0] =	wrdreg $0x60  }
0xac: {  	[dreg:$0x2] =	wrdreg s0  }
0xad: {  	[dreg:$0x3] =	wrdreg s17  }
0xae: {  	[dreg:$0x4] =	wrdreg $0x9  }
0xaf: {  	_ =	task.clear_ibuf [dreg:s6], $0x5FFFF;
	_ =	strace $0x90000046  }
0xb0: {  	s26 =	simm.s32 $0x9;
	_ =	strace $0x80000048  }
0xb1: {  	_ =	swait.ge [sflag:s26], $0x1  }
0xb2: {  	[sflag:s26] =	ssyncadd.s32 $0xFFFFFFFF  }
0xb3: {  	_ =	strace $0x90000048  }
0xb4: {  	_ =	sfence  }
0xb5: {  	s28 =	sld [smem:$0x0];
	_ =	sdelay $0x1  }
0xb6: {  	s29 =	srdreg.scid  }
0xb7: {  	s30 =	sshll.u32 s29, $0xD;
	s31 =	sshrl.u32 s29, $0x2  }
0xb8: {  	s1 =	sand.u32 $0x1, s29;
	s2 =	sand.u32 $0x4000, s30;
	s0 =	sadd.s32 s31, s28  }
0xb9: {  	s1 =	sor.u32 s2, s1;
	s0 =	sshll.u32 s0, $0x11  }
0xba: {  	s0 =	sor.u32 s0, s1  }
0xbb: {  	s0 =	sadd.s32 $0x8F2B, s0  }
0xbc: {  	[sflag:s0] =	ssyncadd.remote.s32 $0x1  }
0xbd: {  	_ =	sfence.sel $0xFFFF  }
0xbe: {  	[dreg:$0x0] =	wrdreg $0xFFFFFFFF;
	(pc) =	sbr.abs _section_cstart, $3  }
0xbf: {  	[dreg:$0x1] =	wrdreg $0xFFFFFFFF  }
0xc0: {  	_ =	task.clear_ibuf [dreg:s6], $0x2FFFF;
	_ =	strace $0x9FFFFFFF  }
0xc1: {  	(tm) =	ssettm $0x7FFFFFFF  }
tec
execute0_lowered:
.L_overlay_start_1:
0x0: {  	(tag) =	ssettag $0x1  }
0x1: {  	v0 =	vlaneseq.u32  }
0x2: {  	s0 =	stileid.u32;
	v0 =	vmul.u32 $0xFFFFFFFF, v0  }
0x3: {  	s1 =	sshll.u32 s0, $0x6  }
0x4: {  	v1 =	vmov s1;
	s2 =	sor.u32 $0x10, s1;
	s26 =	sor.u32 $0x20, s1;
	s1 =	sor.u32 $0x30, s1;
	v0 =	vadd.s32 $0x1FF, v0  }
0x5: {  	v2 =	vmov s2;
	v3 =	vmov s26;
	v4 =	vmov s1  }
0x6: {  	v1 =	vsub.s32 v0, v1;
	v2 =	vsub.s32 v0, v2;
	v3 =	vsub.s32 v0, v3  }
0x7: {  	v0 =	vsub.s32 v0, v4;
	vm0 =	vgt.s32 v1, $0xFFFFFF80;
	vm12 =	vgt.s32 v2, $0xFFFFFF80  }
0x8: {  	vm1 =	vgt.s32 v3, $0xFFFFFF80;
	vm13 =	vgt.s32 v0, $0xFFFFFF80;
	v1 =	vnsel vm0, $0xFFFFFF80, v1  }
0x9: {  	s3 =	rddreg [dreg:$0x0];
	v2 =	vnsel vm12, $0xFFFFFF80, v2;
	v3 =	vnsel vm1, $0xFFFFFF80, v3;
	vm0 =	vlt.s32 v1, $0x80  }
0xa: {  	s28 =	rddreg [dreg:$0x1];
	s4 =	simm.s32 $0x0;
	v0 =	vnsel vm13, $0xFFFFFF80, v0;
	vm14 =	vlt.s32 v3, $0x80;
	v1 =	vnsel vm0, $0x80, v1  }
0xb: {  	[smem:$0x7FF] =	sst s4;
	vm15 =	vlt.s32 v0, $0x80;
	v3 =	vnsel vm14, $0x80, v3;
	v1 =	vadd.s32 $0x80, v1  }
0xc: {  	s1 =	rddreg [dreg:$0x2];
	_ =	strace $0x80000047;
	vm0 =	vlt.s32 v2, $0x80;
	v0 =	vnsel vm15, $0x80, v0;
	v63 =	vadd.s32 $0x80, v3;
	[tilespmem:$0x0] =	vst v1  }
0xd: {  	v2 =	vnsel vm0, $0x80, v2;
	v0 =	vadd.s32 $0x80, v0;
	[tilespmem:$0x20] =	vst v63  }
0xe: {  	v2 =	vadd.s32 $0x80, v2;
	[tilespmem:$0x30] =	vst v0  }
0xf: {  	s5 =	simm.s32 $0x40;
	s6 =	simm.s32 $0x80;
	s29 =	simm.s32 $0x1;
	[tilespmem:$0x10] =	vst v2  }
0x10: {  	[tilespmem:s6], [sflag:$0x1] =	stream.indirect.gather [hbm4b:s3+s5], $0x80, s4, s5, $0xb8;
	[tilespmem:$0x2080] =	vst v63  }
0x11: {  	_ =	swait.ge [sflag:s29], $0x2000  }
0x12: {  	s30 =	sshll.u32 s0, $0xA;
	[sflag:s29] =	ssyncset.done $0x0  }
0x13: {  	s31 =	simm.s32 $0x2;
	s2 =	sadd.s32 s28, s30;
	[sflag:s29] =	ssyncadd.s32 $0xFFFFE000  }
0x14: {  	[hbm4b:s2+s4] =	stream.linear.scatter [tilespmem:s6], [sflag:$0x2], $0x2000, $0x38;
	[tilespmem:$0x2080] =	vst v63  }
0x15: {  	_ =	swait.ge [sflag:s31], $0x2000  }
0x16: {  	[sflag:s31] =	ssyncset.done $0x0  }
0x17: {  	[sflag:s31] =	ssyncadd.s32 $0xFFFFE000  }
0x18: {  	_ =	sfence.sel $0x180000  }
0x19: {  	[bflag:$0x0] =	sbarrier.arrive $0xFFFF  }
0x1a: {  	p0 =	sne.s32 s0, $0x0;
	_ =	strace $0x90000047  }
0x1b: {  	s0 =	sadd.s32 @!p0 $0x100000, s1;
	[bflag:$0x2] =	sbarrier.arrive $0xFFFF  }
0x1c: {  	[sflag:s0] =	ssyncadd.tile.s32 @!p0 $0x1;
	_ =	shalt  }
.Lfunc_end2:
_tile_overlayer_lowered:
.L_overlay_start_2:
0x1d: {  	(tag) =	ssettag $0x2  }
0x1e: {  	s0 =	rddreg [dreg:$0x0];
	s2 =	stileid.u32  }
0x1f: {  	s1 =	rddreg [dreg:$0x1];
	p0 =	sne.s32 s2, $0x0  }
0x20: {  	s3 =	rddreg [dreg:$0x2];
	[bflag:$0x3] =	sbarrier.arrive $0xFFFF;
	s2 =	simm.s32 @!p0 $0x1C02  }
0x21: {  	[timem:s3], [sflag:s2] =	dma.local @!p0 [hbm:s0], s1  }
0x22: {  	s0 =	simm.s32 @!p0 $0x2  }
0x23: {  	_ =	swait.ge @!p0 [sflag:s0], s1  }
0x24: {  	s1 =	ssub.s32 @!p0 $0x0, s1;
	[sflag:s0] =	ssyncset.done @!p0 $0x0  }
0x25: {  	[sflag:s0] =	ssyncadd.s32 @!p0 s1  }
0x26: {  	[bflag:$0x3] =	sbarrier.arrive $0xFFFF  }
0x27: {  	_ =	shalt  }

</sc_bundles>
